<compile_context>
chip_gen: v7x
topology: tpu7x:2x2x1
jax: 0.10.2.dev20260603
libtpu: 0.0.44.dev20260713+nightly
codegen_flags: <defaults>
</compile_context>

<pallas_src>
import functools

import jax
import jax.numpy as jnp
from jax import lax
from jax.experimental import pallas as pl
from jax.experimental.pallas import tpu as pltpu
from jax.experimental.pallas import tpu_sc as plsc

V = 32

_mesh = plsc.ScalarSubcoreMesh(axis_name="c", num_cores=2)


@functools.partial(
    pl.kernel,
    mesh=_mesh,
    out_type=jax.ShapeDtypeStruct((V,), jnp.int32),
    scratch_types=[
        pltpu.SMEM((V,), jnp.float32),
        pltpu.SMEM((V,), jnp.int32),
    ],
)
def _decide(llr_hbm, bits_hbm, llr_s, bits_s):
    cid = lax.axis_index("c")

    @pl.when(cid == 0)
    def _():
        pltpu.sync_copy(llr_hbm, llr_s)
        for i in range(V):
            bits_s[i] = jnp.where(llr_s[i] > 0.0, 0, 1)
        pltpu.sync_copy(bits_s, bits_hbm)


def kernel(llr):
    return _decide(llr)

# --- scband reference (transcript-rebuilt; emitter-appended) ---
"""Pipeline reference for scband-ldpcbelief-propagation-82781199663552 (READ-ONLY COPY).

The authoritative reference and input builder live on the scoring server;
editing this copy changes nothing except your own understanding.
"""

import jax, jax.numpy as jnp
import numpy as np
from jax import lax

C = 16
V = 32
MAX_ITER = 50

def build_H():
    H = np.zeros((C, V), dtype=np.int64)
    for s in (0, 5, 11):
        for v in range(V):
            H[(v + s) % C, v] = 1
    return jnp.asarray(H)

def setup_inputs(seed: int = 0) -> dict:
    key = jax.random.key(seed)
    llr = 0.05 * jax.random.normal(key, (V,), dtype=jnp.float32)
    return {"llr": llr}

def reference(llr):
    H = build_H()
    Hm = (H == 1)  # (C, V)
    v2c0 = jnp.ones((V, C), dtype=jnp.float32)
    c2v0 = jnp.zeros((C, V), dtype=jnp.float32)

    def one_iter(carry, _):
        v2c, c2v = carry

        def v2c_body(t, m):
            i = t // C
            j = t % C
            mask = Hm[j, :]  # which variable rows feed check j
            prod = jnp.prod(jnp.where(mask, jnp.tanh(0.5 * m[:, j]), 1.0))
            return m.at[i, j].set(jnp.sign(llr[i]) * prod)

        v2c = lax.fori_loop(0, V * C, v2c_body, v2c)

        def c2v_body(t, m):
            i = t // V
            j = t % V
            mask = Hm[:, j]  # which checks touch variable j
            s = jnp.sum(jnp.where(mask, m[:, i], 0.0)) - v2c[j, i]
            return m.at[i, j].set(2.0 * jnp.arctan(jnp.exp(0.5 * s)))

        c2v = lax.fori_loop(0, C * V, c2v_body, c2v)
        return (v2c, c2v), None

    (v2c, c2v), _ = lax.scan(one_iter, (v2c0, c2v0), None, length=MAX_ITER)
    est = jnp.sign(llr) * jnp.prod(jnp.tanh(0.5 * c2v), axis=0)
    bits = jnp.where(est > 0, 0, 1)
    return bits

if __name__ == "__main__":
    import jax
    _d = setup_inputs()
    print(jax.jit(kernel)(*tuple(_d.values())))

</pallas_src>

<mosaic_0001>
#map = affine_map<(d0) -> (0)>
module attributes {stable_mosaic.version = 14 : i64} {
  func.func @_decide(%arg0: i32, %arg1: memref<32xf32, #tpu.memory_space<hbm>>, %arg2: memref<32xi32, #tpu.memory_space<hbm>>, %arg3: memref<32xf32, #tpu.memory_space<smem>>, %arg4: memref<32xi32, #tpu.memory_space<smem>>) attributes {dimension_semantics = [#tpu.dimension_semantics<core_parallel>], iteration_bounds = array<i64: 2>, scalar_prefetch = 0 : i64, scratch_operands = 2 : i64, tpu.core_type = #tpu.core_type<sc_scalar_subcore>, window_params = [{transform_indices = #map}, {transform_indices = #map}]} {
    %eq3A = arith.constant 0 : i32
    %eq3A_0 = arith.cmpi eq, %arg0, %eq3A : i32
    %convert_element_type3A = arith.extui %eq3A_0 : i1 to i32
    %cond3A = arith.constant 0 : i32
    %cond3A_1 = arith.cmpi ne, %convert_element_type3A, %cond3A : i32
    scf.if %cond3A_1 {
      "tpu.region"() ({
        %run_scoped3A = tpu.sem_alloc : memref<!tpu.dma_semaphore, #tpu.memory_space<semaphore_mem>>
        tpu.enqueue_dma source(%arg1 : memref<32xf32, #tpu.memory_space<hbm>>) target(%arg3 : memref<32xf32, #tpu.memory_space<smem>>) target_semaphore(%run_scoped3A : memref<!tpu.dma_semaphore, #tpu.memory_space<semaphore_mem>>)
        tpu.wait_dma2 semaphore(%run_scoped3A : memref<!tpu.dma_semaphore, #tpu.memory_space<semaphore_mem>>) src(%arg1 : memref<32xf32, #tpu.memory_space<hbm>>) dst(%arg3 : memref<32xf32, #tpu.memory_space<smem>>)
        tpu.yield
      }) : () -> ()
      %get3A = arith.constant 0 : i32
      %get3A_2 = arith.index_cast %get3A : i32 to index
      %get3A_3 = memref.load %arg3[%get3A_2] : memref<32xf32, #tpu.memory_space<smem>>
      %gt3A = arith.constant 0.000000e+00 : f32
      %gt3A_4 = arith.cmpf ogt, %get3A_3, %gt3A : f32
      %jit3A = arith.constant 0 : i32
      %jit3A_5 = arith.constant 1 : i32
      %select_n3A = arith.select %gt3A_4, %jit3A, %jit3A_5 : i32
      %swap3A = arith.constant 0 : i32
      %swap3A_6 = arith.index_cast %swap3A : i32 to index
      %swap3A_7 = memref.load %arg4[%swap3A_6] : memref<32xi32, #tpu.memory_space<smem>>
      memref.store %select_n3A, %arg4[%swap3A_6] : memref<32xi32, #tpu.memory_space<smem>>
      %get3A_8 = arith.constant 1 : i32
      %get3A_9 = arith.index_cast %get3A_8 : i32 to index
      %get3A_10 = memref.load %arg3[%get3A_9] : memref<32xf32, #tpu.memory_space<smem>>
      %gt3A_11 = arith.constant 0.000000e+00 : f32
      %gt3A_12 = arith.cmpf ogt, %get3A_10, %gt3A_11 : f32
      %jit3A_13 = arith.constant 0 : i32
      %jit3A_14 = arith.constant 1 : i32
      %select_n3A_15 = arith.select %gt3A_12, %jit3A_13, %jit3A_14 : i32
      %swap3A_16 = arith.constant 1 : i32
      %swap3A_17 = arith.index_cast %swap3A_16 : i32 to index
      %swap3A_18 = memref.load %arg4[%swap3A_17] : memref<32xi32, #tpu.memory_space<smem>>
      memref.store %select_n3A_15, %arg4[%swap3A_17] : memref<32xi32, #tpu.memory_space<smem>>
      %get3A_19 = arith.constant 2 : i32
      %get3A_20 = arith.index_cast %get3A_19 : i32 to index
      %get3A_21 = memref.load %arg3[%get3A_20] : memref<32xf32, #tpu.memory_space<smem>>
      %gt3A_22 = arith.constant 0.000000e+00 : f32
      %gt3A_23 = arith.cmpf ogt, %get3A_21, %gt3A_22 : f32
      %jit3A_24 = arith.constant 0 : i32
      %jit3A_25 = arith.constant 1 : i32
      %select_n3A_26 = arith.select %gt3A_23, %jit3A_24, %jit3A_25 : i32
      %swap3A_27 = arith.constant 2 : i32
      %swap3A_28 = arith.index_cast %swap3A_27 : i32 to index
      %swap3A_29 = memref.load %arg4[%swap3A_28] : memref<32xi32, #tpu.memory_space<smem>>
      memref.store %select_n3A_26, %arg4[%swap3A_28] : memref<32xi32, #tpu.memory_space<smem>>
      %get3A_30 = arith.constant 3 : i32
      %get3A_31 = arith.index_cast %get3A_30 : i32 to index
      %get3A_32 = memref.load %arg3[%get3A_31] : memref<32xf32, #tpu.memory_space<smem>>
      %gt3A_33 = arith.constant 0.000000e+00 : f32
      %gt3A_34 = arith.cmpf ogt, %get3A_32, %gt3A_33 : f32
      %jit3A_35 = arith.constant 0 : i32
      %jit3A_36 = arith.constant 1 : i32
      %select_n3A_37 = arith.select %gt3A_34, %jit3A_35, %jit3A_36 : i32
      %swap3A_38 = arith.constant 3 : i32
      %swap3A_39 = arith.index_cast %swap3A_38 : i32 to index
      %swap3A_40 = memref.load %arg4[%swap3A_39] : memref<32xi32, #tpu.memory_space<smem>>
      memref.store %select_n3A_37, %arg4[%swap3A_39] : memref<32xi32, #tpu.memory_space<smem>>
      %get3A_41 = arith.constant 4 : i32
      %get3A_42 = arith.index_cast %get3A_41 : i32 to index
      %get3A_43 = memref.load %arg3[%get3A_42] : memref<32xf32, #tpu.memory_space<smem>>
      %gt3A_44 = arith.constant 0.000000e+00 : f32
      %gt3A_45 = arith.cmpf ogt, %get3A_43, %gt3A_44 : f32
      %jit3A_46 = arith.constant 0 : i32
      %jit3A_47 = arith.constant 1 : i32
      %select_n3A_48 = arith.select %gt3A_45, %jit3A_46, %jit3A_47 : i32
      %swap3A_49 = arith.constant 4 : i32
      %swap3A_50 = arith.index_cast %swap3A_49 : i32 to index
      %swap3A_51 = memref.load %arg4[%swap3A_50] : memref<32xi32, #tpu.memory_space<smem>>
      memref.store %select_n3A_48, %arg4[%swap3A_50] : memref<32xi32, #tpu.memory_space<smem>>
      %get3A_52 = arith.constant 5 : i32
      %get3A_53 = arith.index_cast %get3A_52 : i32 to index
      %get3A_54 = memref.load %arg3[%get3A_53] : memref<32xf32, #tpu.memory_space<smem>>
      %gt3A_55 = arith.constant 0.000000e+00 : f32
      %gt3A_56 = arith.cmpf ogt, %get3A_54, %gt3A_55 : f32
      %jit3A_57 = arith.constant 0 : i32
      %jit3A_58 = arith.constant 1 : i32
      %select_n3A_59 = arith.select %gt3A_56, %jit3A_57, %jit3A_58 : i32
      %swap3A_60 = arith.constant 5 : i32
      %swap3A_61 = arith.index_cast %swap3A_60 : i32 to index
      %swap3A_62 = memref.load %arg4[%swap3A_61] : memref<32xi32, #tpu.memory_space<smem>>
      memref.store %select_n3A_59, %arg4[%swap3A_61] : memref<32xi32, #tpu.memory_space<smem>>
      %get3A_63 = arith.constant 6 : i32
      %get3A_64 = arith.index_cast %get3A_63 : i32 to index
      %get3A_65 = memref.load %arg3[%get3A_64] : memref<32xf32, #tpu.memory_space<smem>>
      %gt3A_66 = arith.constant 0.000000e+00 : f32
      %gt3A_67 = arith.cmpf ogt, %get3A_65, %gt3A_66 : f32
      %jit3A_68 = arith.constant 0 : i32
      %jit3A_69 = arith.constant 1 : i32
      %select_n3A_70 = arith.select %gt3A_67, %jit3A_68, %jit3A_69 : i32
      %swap3A_71 = arith.constant 6 : i32
      %swap3A_72 = arith.index_cast %swap3A_71 : i32 to index
      %swap3A_73 = memref.load %arg4[%swap3A_72] : memref<32xi32, #tpu.memory_space<smem>>
      memref.store %select_n3A_70, %arg4[%swap3A_72] : memref<32xi32, #tpu.memory_space<smem>>
      %get3A_74 = arith.constant 7 : i32
      %get3A_75 = arith.index_cast %get3A_74 : i32 to index
      %get3A_76 = memref.load %arg3[%get3A_75] : memref<32xf32, #tpu.memory_space<smem>>
      %gt3A_77 = arith.constant 0.000000e+00 : f32
      %gt3A_78 = arith.cmpf ogt, %get3A_76, %gt3A_77 : f32
      %jit3A_79 = arith.constant 0 : i32
      %jit3A_80 = arith.constant 1 : i32
      %select_n3A_81 = arith.select %gt3A_78, %jit3A_79, %jit3A_80 : i32
      %swap3A_82 = arith.constant 7 : i32
      %swap3A_83 = arith.index_cast %swap3A_82 : i32 to index
      %swap3A_84 = memref.load %arg4[%swap3A_83] : memref<32xi32, #tpu.memory_space<smem>>
      memref.store %select_n3A_81, %arg4[%swap3A_83] : memref<32xi32, #tpu.memory_space<smem>>
      %get3A_85 = arith.constant 8 : i32
      %get3A_86 = arith.index_cast %get3A_85 : i32 to index
      %get3A_87 = memref.load %arg3[%get3A_86] : memref<32xf32, #tpu.memory_space<smem>>
      %gt3A_88 = arith.constant 0.000000e+00 : f32
      %gt3A_89 = arith.cmpf ogt, %get3A_87, %gt3A_88 : f32
      %jit3A_90 = arith.constant 0 : i32
      %jit3A_91 = arith.constant 1 : i32
      %select_n3A_92 = arith.select %gt3A_89, %jit3A_90, %jit3A_91 : i32
      %swap3A_93 = arith.constant 8 : i32
      %swap3A_94 = arith.index_cast %swap3A_93 : i32 to index
      %swap3A_95 = memref.load %arg4[%swap3A_94] : memref<32xi32, #tpu.memory_space<smem>>
      memref.store %select_n3A_92, %arg4[%swap3A_94] : memref<32xi32, #tpu.memory_space<smem>>
      %get3A_96 = arith.constant 9 : i32
      %get3A_97 = arith.index_cast %get3A_96 : i32 to index
      %get3A_98 = memref.load %arg3[%get3A_97] : memref<32xf32, #tpu.memory_space<smem>>
      %gt3A_99 = arith.constant 0.000000e+00 : f32
      %gt3A_100 = arith.cmpf ogt, %get3A_98, %gt3A_99 : f32
      %jit3A_101 = arith.constant 0 : i32
      %jit3A_102 = arith.constant 1 : i32
      %select_n3A_103 = arith.select %gt3A_100, %jit3A_101, %jit3A_102 : i32
      %swap3A_104 = arith.constant 9 : i32
      %swap3A_105 = arith.index_cast %swap3A_104 : i32 to index
      %swap3A_106 = memref.load %arg4[%swap3A_105] : memref<32xi32, #tpu.memory_space<smem>>
      memref.store %select_n3A_103, %arg4[%swap3A_105] : memref<32xi32, #tpu.memory_space<smem>>
      %get3A_107 = arith.constant 10 : i32
      %get3A_108 = arith.index_cast %get3A_107 : i32 to index
      %get3A_109 = memref.load %arg3[%get3A_108] : memref<32xf32, #tpu.memory_space<smem>>
      %gt3A_110 = arith.constant 0.000000e+00 : f32
      %gt3A_111 = arith.cmpf ogt, %get3A_109, %gt3A_110 : f32
      %jit3A_112 = arith.constant 0 : i32
      %jit3A_113 = arith.constant 1 : i32
      %select_n3A_114 = arith.select %gt3A_111, %jit3A_112, %jit3A_113 : i32
      %swap3A_115 = arith.constant 10 : i32
      %swap3A_116 = arith.index_cast %swap3A_115 : i32 to index
      %swap3A_117 = memref.load %arg4[%swap3A_116] : memref<32xi32, #tpu.memory_space<smem>>
      memref.store %select_n3A_114, %arg4[%swap3A_116] : memref<32xi32, #tpu.memory_space<smem>>
      %get3A_118 = arith.constant 11 : i32
      %get3A_119 = arith.index_cast %get3A_118 : i32 to index
      %get3A_120 = memref.load %arg3[%get3A_119] : memref<32xf32, #tpu.memory_space<smem>>
      %gt3A_121 = arith.constant 0.000000e+00 : f32
      %gt3A_122 = arith.cmpf ogt, %get3A_120, %gt3A_121 : f32
      %jit3A_123 = arith.constant 0 : i32
      %jit3A_124 = arith.constant 1 : i32
      %select_n3A_125 = arith.select %gt3A_122, %jit3A_123, %jit3A_124 : i32
      %swap3A_126 = arith.constant 11 : i32
      %swap3A_127 = arith.index_cast %swap3A_126 : i32 to index
      %swap3A_128 = memref.load %arg4[%swap3A_127] : memref<32xi32, #tpu.memory_space<smem>>
      memref.store %select_n3A_125, %arg4[%swap3A_127] : memref<32xi32, #tpu.memory_space<smem>>
      %get3A_129 = arith.constant 12 : i32
      %get3A_130 = arith.index_cast %get3A_129 : i32 to index
      %get3A_131 = memref.load %arg3[%get3A_130] : memref<32xf32, #tpu.memory_space<smem>>
      %gt3A_132 = arith.constant 0.000000e+00 : f32
      %gt3A_133 = arith.cmpf ogt, %get3A_131, %gt3A_132 : f32
      %jit3A_134 = arith.constant 0 : i32
      %jit3A_135 = arith.constant 1 : i32
      %select_n3A_136 = arith.select %gt3A_133, %jit3A_134, %jit3A_135 : i32
      %swap3A_137 = arith.constant 12 : i32
      %swap3A_138 = arith.index_cast %swap3A_137 : i32 to index
      %swap3A_139 = memref.load %arg4[%swap3A_138] : memref<32xi32, #tpu.memory_space<smem>>
      memref.store %select_n3A_136, %arg4[%swap3A_138] : memref<32xi32, #tpu.memory_space<smem>>
      %get3A_140 = arith.constant 13 : i32
      %get3A_141 = arith.index_cast %get3A_140 : i32 to index
      %get3A_142 = memref.load %arg3[%get3A_141] : memref<32xf32, #tpu.memory_space<smem>>
      %gt3A_143 = arith.constant 0.000000e+00 : f32
      %gt3A_144 = arith.cmpf ogt, %get3A_142, %gt3A_143 : f32
      %jit3A_145 = arith.constant 0 : i32
      %jit3A_146 = arith.constant 1 : i32
      %select_n3A_147 = arith.select %gt3A_144, %jit3A_145, %jit3A_146 : i32
      %swap3A_148 = arith.constant 13 : i32
      %swap3A_149 = arith.index_cast %swap3A_148 : i32 to index
      %swap3A_150 = memref.load %arg4[%swap3A_149] : memref<32xi32, #tpu.memory_space<smem>>
      memref.store %select_n3A_147, %arg4[%swap3A_149] : memref<32xi32, #tpu.memory_space<smem>>
      %get3A_151 = arith.constant 14 : i32
      %get3A_152 = arith.index_cast %get3A_151 : i32 to index
      %get3A_153 = memref.load %arg3[%get3A_152] : memref<32xf32, #tpu.memory_space<smem>>
      %gt3A_154 = arith.constant 0.000000e+00 : f32
      %gt3A_155 = arith.cmpf ogt, %get3A_153, %gt3A_154 : f32
      %jit3A_156 = arith.constant 0 : i32
      %jit3A_157 = arith.constant 1 : i32
      %select_n3A_158 = arith.select %gt3A_155, %jit3A_156, %jit3A_157 : i32
      %swap3A_159 = arith.constant 14 : i32
      %swap3A_160 = arith.index_cast %swap3A_159 : i32 to index
      %swap3A_161 = memref.load %arg4[%swap3A_160] : memref<32xi32, #tpu.memory_space<smem>>
      memref.store %select_n3A_158, %arg4[%swap3A_160] : memref<32xi32, #tpu.memory_space<smem>>
      %get3A_162 = arith.constant 15 : i32
      %get3A_163 = arith.index_cast %get3A_162 : i32 to index
      %get3A_164 = memref.load %arg3[%get3A_163] : memref<32xf32, #tpu.memory_space<smem>>
      %gt3A_165 = arith.constant 0.000000e+00 : f32
      %gt3A_166 = arith.cmpf ogt, %get3A_164, %gt3A_165 : f32
      %jit3A_167 = arith.constant 0 : i32
      %jit3A_168 = arith.constant 1 : i32
      %select_n3A_169 = arith.select %gt3A_166, %jit3A_167, %jit3A_168 : i32
      %swap3A_170 = arith.constant 15 : i32
      %swap3A_171 = arith.index_cast %swap3A_170 : i32 to index
      %swap3A_172 = memref.load %arg4[%swap3A_171] : memref<32xi32, #tpu.memory_space<smem>>
      memref.store %select_n3A_169, %arg4[%swap3A_171] : memref<32xi32, #tpu.memory_space<smem>>
      %get3A_173 = arith.constant 16 : i32
      %get3A_174 = arith.index_cast %get3A_173 : i32 to index
      %get3A_175 = memref.load %arg3[%get3A_174] : memref<32xf32, #tpu.memory_space<smem>>
      %gt3A_176 = arith.constant 0.000000e+00 : f32
      %gt3A_177 = arith.cmpf ogt, %get3A_175, %gt3A_176 : f32
      %jit3A_178 = arith.constant 0 : i32
      %jit3A_179 = arith.constant 1 : i32
      %select_n3A_180 = arith.select %gt3A_177, %jit3A_178, %jit3A_179 : i32
      %swap3A_181 = arith.constant 16 : i32
      %swap3A_182 = arith.index_cast %swap3A_181 : i32 to index
      %swap3A_183 = memref.load %arg4[%swap3A_182] : memref<32xi32, #tpu.memory_space<smem>>
      memref.store %select_n3A_180, %arg4[%swap3A_182] : memref<32xi32, #tpu.memory_space<smem>>
      %get3A_184 = arith.constant 17 : i32
      %get3A_185 = arith.index_cast %get3A_184 : i32 to index
      %get3A_186 = memref.load %arg3[%get3A_185] : memref<32xf32, #tpu.memory_space<smem>>
      %gt3A_187 = arith.constant 0.000000e+00 : f32
      %gt3A_188 = arith.cmpf ogt, %get3A_186, %gt3A_187 : f32
      %jit3A_189 = arith.constant 0 : i32
      %jit3A_190 = arith.constant 1 : i32
      %select_n3A_191 = arith.select %gt3A_188, %jit3A_189, %jit3A_190 : i32
      %swap3A_192 = arith.constant 17 : i32
      %swap3A_193 = arith.index_cast %swap3A_192 : i32 to index
      %swap3A_194 = memref.load %arg4[%swap3A_193] : memref<32xi32, #tpu.memory_space<smem>>
      memref.store %select_n3A_191, %arg4[%swap3A_193] : memref<32xi32, #tpu.memory_space<smem>>
      %get3A_195 = arith.constant 18 : i32
      %get3A_196 = arith.index_cast %get3A_195 : i32 to index
      %get3A_197 = memref.load %arg3[%get3A_196] : memref<32xf32, #tpu.memory_space<smem>>
      %gt3A_198 = arith.constant 0.000000e+00 : f32
      %gt3A_199 = arith.cmpf ogt, %get3A_197, %gt3A_198 : f32
      %jit3A_200 = arith.constant 0 : i32
      %jit3A_201 = arith.constant 1 : i32
      %select_n3A_202 = arith.select %gt3A_199, %jit3A_200, %jit3A_201 : i32
      %swap3A_203 = arith.constant 18 : i32
      %swap3A_204 = arith.index_cast %swap3A_203 : i32 to index
      %swap3A_205 = memref.load %arg4[%swap3A_204] : memref<32xi32, #tpu.memory_space<smem>>
      memref.store %select_n3A_202, %arg4[%swap3A_204] : memref<32xi32, #tpu.memory_space<smem>>
      %get3A_206 = arith.constant 19 : i32
      %get3A_207 = arith.index_cast %get3A_206 : i32 to index
      %get3A_208 = memref.load %arg3[%get3A_207] : memref<32xf32, #tpu.memory_space<smem>>
      %gt3A_209 = arith.constant 0.000000e+00 : f32
      %gt3A_210 = arith.cmpf ogt, %get3A_208, %gt3A_209 : f32
      %jit3A_211 = arith.constant 0 : i32
      %jit3A_212 = arith.constant 1 : i32
      %select_n3A_213 = arith.select %gt3A_210, %jit3A_211, %jit3A_212 : i32
      %swap3A_214 = arith.constant 19 : i32
      %swap3A_215 = arith.index_cast %swap3A_214 : i32 to index
      %swap3A_216 = memref.load %arg4[%swap3A_215] : memref<32xi32, #tpu.memory_space<smem>>
      memref.store %select_n3A_213, %arg4[%swap3A_215] : memref<32xi32, #tpu.memory_space<smem>>
      %get3A_217 = arith.constant 20 : i32
      %get3A_218 = arith.index_cast %get3A_217 : i32 to index
      %get3A_219 = memref.load %arg3[%get3A_218] : memref<32xf32, #tpu.memory_space<smem>>
      %gt3A_220 = arith.constant 0.000000e+00 : f32
      %gt3A_221 = arith.cmpf ogt, %get3A_219, %gt3A_220 : f32
      %jit3A_222 = arith.constant 0 : i32
      %jit3A_223 = arith.constant 1 : i32
      %select_n3A_224 = arith.select %gt3A_221, %jit3A_222, %jit3A_223 : i32
      %swap3A_225 = arith.constant 20 : i32
      %swap3A_226 = arith.index_cast %swap3A_225 : i32 to index
      %swap3A_227 = memref.load %arg4[%swap3A_226] : memref<32xi32, #tpu.memory_space<smem>>
      memref.store %select_n3A_224, %arg4[%swap3A_226] : memref<32xi32, #tpu.memory_space<smem>>
      %get3A_228 = arith.constant 21 : i32
      %get3A_229 = arith.index_cast %get3A_228 : i32 to index
      %get3A_230 = memref.load %arg3[%get3A_229] : memref<32xf32, #tpu.memory_space<smem>>
      %gt3A_231 = arith.constant 0.000000e+00 : f32
      %gt3A_232 = arith.cmpf ogt, %get3A_230, %gt3A_231 : f32
      %jit3A_233 = arith.constant 0 : i32
      %jit3A_234 = arith.constant 1 : i32
      %select_n3A_235 = arith.select %gt3A_232, %jit3A_233, %jit3A_234 : i32
      %swap3A_236 = arith.constant 21 : i32
      %swap3A_237 = arith.index_cast %swap3A_236 : i32 to index
      %swap3A_238 = memref.load %arg4[%swap3A_237] : memref<32xi32, #tpu.memory_space<smem>>
      memref.store %select_n3A_235, %arg4[%swap3A_237] : memref<32xi32, #tpu.memory_space<smem>>
      %get3A_239 = arith.constant 22 : i32
      %get3A_240 = arith.index_cast %get3A_239 : i32 to index
      %get3A_241 = memref.load %arg3[%get3A_240] : memref<32xf32, #tpu.memory_space<smem>>
      %gt3A_242 = arith.constant 0.000000e+00 : f32
      %gt3A_243 = arith.cmpf ogt, %get3A_241, %gt3A_242 : f32
      %jit3A_244 = arith.constant 0 : i32
      %jit3A_245 = arith.constant 1 : i32
      %select_n3A_246 = arith.select %gt3A_243, %jit3A_244, %jit3A_245 : i32
      %swap3A_247 = arith.constant 22 : i32
      %swap3A_248 = arith.index_cast %swap3A_247 : i32 to index
      %swap3A_249 = memref.load %arg4[%swap3A_248] : memref<32xi32, #tpu.memory_space<smem>>
      memref.store %select_n3A_246, %arg4[%swap3A_248] : memref<32xi32, #tpu.memory_space<smem>>
      %get3A_250 = arith.constant 23 : i32
      %get3A_251 = arith.index_cast %get3A_250 : i32 to index
      %get3A_252 = memref.load %arg3[%get3A_251] : memref<32xf32, #tpu.memory_space<smem>>
      %gt3A_253 = arith.constant 0.000000e+00 : f32
      %gt3A_254 = arith.cmpf ogt, %get3A_252, %gt3A_253 : f32
      %jit3A_255 = arith.constant 0 : i32
      %jit3A_256 = arith.constant 1 : i32
      %select_n3A_257 = arith.select %gt3A_254, %jit3A_255, %jit3A_256 : i32
      %swap3A_258 = arith.constant 23 : i32
      %swap3A_259 = arith.index_cast %swap3A_258 : i32 to index
      %swap3A_260 = memref.load %arg4[%swap3A_259] : memref<32xi32, #tpu.memory_space<smem>>
      memref.store %select_n3A_257, %arg4[%swap3A_259] : memref<32xi32, #tpu.memory_space<smem>>
      %get3A_261 = arith.constant 24 : i32
      %get3A_262 = arith.index_cast %get3A_261 : i32 to index
      %get3A_263 = memref.load %arg3[%get3A_262] : memref<32xf32, #tpu.memory_space<smem>>
      %gt3A_264 = arith.constant 0.000000e+00 : f32
      %gt3A_265 = arith.cmpf ogt, %get3A_263, %gt3A_264 : f32
      %jit3A_266 = arith.constant 0 : i32
      %jit3A_267 = arith.constant 1 : i32
      %select_n3A_268 = arith.select %gt3A_265, %jit3A_266, %jit3A_267 : i32
      %swap3A_269 = arith.constant 24 : i32
      %swap3A_270 = arith.index_cast %swap3A_269 : i32 to index
      %swap3A_271 = memref.load %arg4[%swap3A_270] : memref<32xi32, #tpu.memory_space<smem>>
      memref.store %select_n3A_268, %arg4[%swap3A_270] : memref<32xi32, #tpu.memory_space<smem>>
      %get3A_272 = arith.constant 25 : i32
      %get3A_273 = arith.index_cast %get3A_272 : i32 to index
      %get3A_274 = memref.load %arg3[%get3A_273] : memref<32xf32, #tpu.memory_space<smem>>
      %gt3A_275 = arith.constant 0.000000e+00 : f32
      %gt3A_276 = arith.cmpf ogt, %get3A_274, %gt3A_275 : f32
      %jit3A_277 = arith.constant 0 : i32
      %jit3A_278 = arith.constant 1 : i32
      %select_n3A_279 = arith.select %gt3A_276, %jit3A_277, %jit3A_278 : i32
      %swap3A_280 = arith.constant 25 : i32
      %swap3A_281 = arith.index_cast %swap3A_280 : i32 to index
      %swap3A_282 = memref.load %arg4[%swap3A_281] : memref<32xi32, #tpu.memory_space<smem>>
      memref.store %select_n3A_279, %arg4[%swap3A_281] : memref<32xi32, #tpu.memory_space<smem>>
      %get3A_283 = arith.constant 26 : i32
      %get3A_284 = arith.index_cast %get3A_283 : i32 to index
      %get3A_285 = memref.load %arg3[%get3A_284] : memref<32xf32, #tpu.memory_space<smem>>
      %gt3A_286 = arith.constant 0.000000e+00 : f32
      %gt3A_287 = arith.cmpf ogt, %get3A_285, %gt3A_286 : f32
      %jit3A_288 = arith.constant 0 : i32
      %jit3A_289 = arith.constant 1 : i32
      %select_n3A_290 = arith.select %gt3A_287, %jit3A_288, %jit3A_289 : i32
      %swap3A_291 = arith.constant 26 : i32
      %swap3A_292 = arith.index_cast %swap3A_291 : i32 to index
      %swap3A_293 = memref.load %arg4[%swap3A_292] : memref<32xi32, #tpu.memory_space<smem>>
      memref.store %select_n3A_290, %arg4[%swap3A_292] : memref<32xi32, #tpu.memory_space<smem>>
      %get3A_294 = arith.constant 27 : i32
      %get3A_295 = arith.index_cast %get3A_294 : i32 to index
      %get3A_296 = memref.load %arg3[%get3A_295] : memref<32xf32, #tpu.memory_space<smem>>
      %gt3A_297 = arith.constant 0.000000e+00 : f32
      %gt3A_298 = arith.cmpf ogt, %get3A_296, %gt3A_297 : f32
      %jit3A_299 = arith.constant 0 : i32
      %jit3A_300 = arith.constant 1 : i32
      %select_n3A_301 = arith.select %gt3A_298, %jit3A_299, %jit3A_300 : i32
      %swap3A_302 = arith.constant 27 : i32
      %swap3A_303 = arith.index_cast %swap3A_302 : i32 to index
      %swap3A_304 = memref.load %arg4[%swap3A_303] : memref<32xi32, #tpu.memory_space<smem>>
      memref.store %select_n3A_301, %arg4[%swap3A_303] : memref<32xi32, #tpu.memory_space<smem>>
      %get3A_305 = arith.constant 28 : i32
      %get3A_306 = arith.index_cast %get3A_305 : i32 to index
      %get3A_307 = memref.load %arg3[%get3A_306] : memref<32xf32, #tpu.memory_space<smem>>
      %gt3A_308 = arith.constant 0.000000e+00 : f32
      %gt3A_309 = arith.cmpf ogt, %get3A_307, %gt3A_308 : f32
      %jit3A_310 = arith.constant 0 : i32
      %jit3A_311 = arith.constant 1 : i32
      %select_n3A_312 = arith.select %gt3A_309, %jit3A_310, %jit3A_311 : i32
      %swap3A_313 = arith.constant 28 : i32
      %swap3A_314 = arith.index_cast %swap3A_313 : i32 to index
      %swap3A_315 = memref.load %arg4[%swap3A_314] : memref<32xi32, #tpu.memory_space<smem>>
      memref.store %select_n3A_312, %arg4[%swap3A_314] : memref<32xi32, #tpu.memory_space<smem>>
      %get3A_316 = arith.constant 29 : i32
      %get3A_317 = arith.index_cast %get3A_316 : i32 to index
      %get3A_318 = memref.load %arg3[%get3A_317] : memref<32xf32, #tpu.memory_space<smem>>
      %gt3A_319 = arith.constant 0.000000e+00 : f32
      %gt3A_320 = arith.cmpf ogt, %get3A_318, %gt3A_319 : f32
      %jit3A_321 = arith.constant 0 : i32
      %jit3A_322 = arith.constant 1 : i32
      %select_n3A_323 = arith.select %gt3A_320, %jit3A_321, %jit3A_322 : i32
      %swap3A_324 = arith.constant 29 : i32
      %swap3A_325 = arith.index_cast %swap3A_324 : i32 to index
      %swap3A_326 = memref.load %arg4[%swap3A_325] : memref<32xi32, #tpu.memory_space<smem>>
      memref.store %select_n3A_323, %arg4[%swap3A_325] : memref<32xi32, #tpu.memory_space<smem>>
      %get3A_327 = arith.constant 30 : i32
      %get3A_328 = arith.index_cast %get3A_327 : i32 to index
      %get3A_329 = memref.load %arg3[%get3A_328] : memref<32xf32, #tpu.memory_space<smem>>
      %gt3A_330 = arith.constant 0.000000e+00 : f32
      %gt3A_331 = arith.cmpf ogt, %get3A_329, %gt3A_330 : f32
      %jit3A_332 = arith.constant 0 : i32
      %jit3A_333 = arith.constant 1 : i32
      %select_n3A_334 = arith.select %gt3A_331, %jit3A_332, %jit3A_333 : i32
      %swap3A_335 = arith.constant 30 : i32
      %swap3A_336 = arith.index_cast %swap3A_335 : i32 to index
      %swap3A_337 = memref.load %arg4[%swap3A_336] : memref<32xi32, #tpu.memory_space<smem>>
      memref.store %select_n3A_334, %arg4[%swap3A_336] : memref<32xi32, #tpu.memory_space<smem>>
      %get3A_338 = arith.constant 31 : i32
      %get3A_339 = arith.index_cast %get3A_338 : i32 to index
      %get3A_340 = memref.load %arg3[%get3A_339] : memref<32xf32, #tpu.memory_space<smem>>
      %gt3A_341 = arith.constant 0.000000e+00 : f32
      %gt3A_342 = arith.cmpf ogt, %get3A_340, %gt3A_341 : f32
      %jit3A_343 = arith.constant 0 : i32
      %jit3A_344 = arith.constant 1 : i32
      %select_n3A_345 = arith.select %gt3A_342, %jit3A_343, %jit3A_344 : i32
      %swap3A_346 = arith.constant 31 : i32
      %swap3A_347 = arith.index_cast %swap3A_346 : i32 to index
      %swap3A_348 = memref.load %arg4[%swap3A_347] : memref<32xi32, #tpu.memory_space<smem>>
      memref.store %select_n3A_345, %arg4[%swap3A_347] : memref<32xi32, #tpu.memory_space<smem>>
      "tpu.region"() ({
        %run_scoped3A = tpu.sem_alloc : memref<!tpu.dma_semaphore, #tpu.memory_space<semaphore_mem>>
        tpu.enqueue_dma source(%arg4 : memref<32xi32, #tpu.memory_space<smem>>) target(%arg2 : memref<32xi32, #tpu.memory_space<hbm>>) target_semaphore(%run_scoped3A : memref<!tpu.dma_semaphore, #tpu.memory_space<semaphore_mem>>)
        tpu.wait_dma2 semaphore(%run_scoped3A : memref<!tpu.dma_semaphore, #tpu.memory_space<semaphore_mem>>) src(%arg4 : memref<32xi32, #tpu.memory_space<smem>>) dst(%arg2 : memref<32xi32, #tpu.memory_space<hbm>>)
        tpu.yield
      }) : () -> ()
    } else {
    }
    return
  }
}

</mosaic_0001>

<sc_bundles>
// kernel: kernel.3.cloned.1.call-start
scs
__scs_entry_jumppad:
0x0: {  	(pc) =	sbr.rel $0x88, $3  }
0x1: {  	(tag) =	ssettag $0x0;
	lr =	simm.s32 $0x1  }
0x2: {  	[smem:$0x3FA0] =	sst lr;
	_ =	strace $0xD0000000  }
0x3: {  	_ = 	snop  }
0x4: {  	_ = 	snop  }
0x5: {  	_ = 	snop  }
0x6: {  	_ = 	snop  }
0x7: {  	_ = 	snop  }
__scs_overlays_trampoline_lowered:
0x8: {  	[smem:$0x3FAF] =	sst s0  }
0x9: {  	[smem:$0x3FB0] =	sst s1  }
0xa: {  	[smem:$0x3FB1] =	sst s2  }
0xb: {  	[smem:$0x3FB2] =	sst s3  }
0xc: {  	[smem:$0x3FB3] =	sst s4  }
0xd: {  	[smem:$0x3FB4] =	sst s5  }
0xe: {  	[smem:$0x3FB5] =	sst s6  }
0xf: {  	[smem:$0x3FB6] =	sst s7  }
0x10: {  	[smem:$0x3FB7] =	sst s8  }
0x11: {  	[smem:$0x3FB8] =	sst s9;
	s0 =	simm.s32 @!p0 $0x0  }
0x12: {  	s1 =	sld [smem:$0x3F9E];
	s0 =	simm.s32 @p0 $0x1  }
0x13: {  	[smem:$0x3FB9] =	sst s0;
	s0 =	simm.s32 @!p1 $0x0  }
0x14: {  	s2 =	sld [smem:$0x3F9D];
	s0 =	simm.s32 @p1 $0x1  }
0x15: {  	[smem:$0x3FBA] =	sst s0;
	s0 =	simm.s32 @!p2 $0x0  }
0x16: {  	s3 =	sld [smem:$0x3FDB];
	s0 =	simm.s32 @p2 $0x1  }
0x17: {  	s4 =	simm.s32 $0x1BF5;
	[smem:$0x3FBC] =	sst s0  }
0x18: {  	s0 =	sld [smem:$0x3F9F];
	_ =	swait.ge [sflag:s4], $0x0  }
0x19: {  	s7 =	sld [smem:$0x3FA0]  }
0x1a: {  	s8 =	sadd.s32 $0xFFFFE003, lr  }
0x1b: {  	s9 =	sadd.s32 $0xFFFFFEF7, lr;
	s5 =	simm.s32 $0xFFFFFFFF;
	p2 =	slt.u32 s8, $0xFFFFF086  }
0x1c: {  	p1 =	slt.u32 s9, $0xF7A;
	s5 =	simm.s32 @!p2 $0x0  }
0x1d: {  	s5 =	simm.s32 @p1 $0x1;
	p0 =	seq.s32 s7, s2  }
0x1e: {  	s7 =	smul.u32 @!p0 $0xF7A, s2;
	p2 =	seq.s32 @!p0 s5, $0x0  }
0x1f: {  	s9 =	smul.u32 $0xF7A, s1;
	s8 =	simm.s32 @!p0 $0x1BF5;
	p2 =	por !p2, p0  }
0x20: {  	[sflag:s8] =	ssyncset.s32 @!p0 $0xFFFFF086;
	s6 =	sadd.s32 @!p0 s3, s7;
	s7 =	simm.s32 @!p0 $0x108  }
0x21: {  	s3 =	sadd.s32 s3, s9;
	s6 =	sadd.s32 @!p0 $0x88, s6;
	s7 =	simm.s32 @p2 $0x1082  }
0x22: {  	[simem:s7], [sflag:s8] =	dma.local @!p0 [hbm:s6], $0xF7A  }
0x23: {  	s9 =	sor.u32 $0xD0000000, s2;
	s6 =	simm.s32 $0x108;
	_ =	swait.ge @!p0 [sflag:s8], $0x0  }
0x24: {  	s3 =	sadd.s32 $0x88, s3;
	s6 =	simm.s32 @!p1 $0x1082;
	[sflag:s4] =	ssyncset.s32 $0xFFFFF086  }
0x25: {  	[simem:s6], [sflag:s4] =	dma.local [hbm:s3], $0xF7A  }
0x26: {  	[smem:$0x3FA0] =	sst s1;
	(tag) =	ssettag s2;
	_ =	strace s9  }
0x27: {  	s1 =	sld [smem:$0x3FB0]  }
0x28: {  	s2 =	sld [smem:$0x3FB1]  }
0x29: {  	s4 =	sld [smem:$0x3FB3]  }
0x2a: {  	p0 =	seq.s32 s5, $0x0;
	s5 =	sld [smem:$0x3FB4]  }
0x2b: {  	s6 =	sld [smem:$0x3FB5]  }
0x2c: {  	s7 =	sld [smem:$0x3FB6]  }
0x2d: {  	s3 =	simm.s32 $0x108;
	s8 =	sld [smem:$0x3FB7]  }
0x2e: {  	s3 =	simm.s32 @!p0 $0x1082;
	s9 =	sld [smem:$0x3FB8]  }
0x2f: {  	lr =	sadd.s32 s0, s3;
	s0 =	sld [smem:$0x3FAF]  }
0x30: {  	s3 =	sld [smem:$0x3FB2]  }
0x31: {  	[smem:$0x3FBB] =	sst s10  }
0x32: {  	s10 =	sld [smem:$0x3FB9];
	_ =	sdelay $0x3  }
0x33: {  	p0 =	seq.s32 s10, $0x1;
	s10 =	sld [smem:$0x3FBB];
	_ =	sdelay $0x3  }
0x34: {  	[smem:$0x3FBB] =	sst s10  }
0x35: {  	s10 =	sld [smem:$0x3FBA];
	_ =	sdelay $0x3  }
0x36: {  	p1 =	seq.s32 s10, $0x1;
	s10 =	sld [smem:$0x3FBB];
	_ =	sdelay $0x3  }
0x37: {  	[smem:$0x3FBB] =	sst s10  }
0x38: {  	s10 =	sld [smem:$0x3FBC]  }
0x39: {  	_ = 	snop;
	(pc) =	sbr.ind lr, $3  }
0x3a: {  	_ = 	snop  }
0x3b: {  	_ = 	snop  }
0x3c: {  	p2 =	seq.s32 s10, $0x1;
	s10 =	sld [smem:$0x3FBB]  }
0x3d: {  	_ =	shalt  }
0x3e: {  	_ =	shalt  }
0x3f: {  	_ =	shalt  }
0x40: {  	_ =	shalt  }
0x41: {  	_ =	shalt  }
0x42: {  	_ =	shalt  }
0x43: {  	_ =	shalt  }
0x44: {  	_ =	shalt  }
0x45: {  	_ =	shalt  }
0x46: {  	_ =	shalt  }
0x47: {  	_ =	shalt  }
0x48: {  	_ =	shalt  }
0x49: {  	_ =	shalt  }
0x4a: {  	_ =	shalt  }
0x4b: {  	_ =	shalt  }
0x4c: {  	_ =	shalt  }
0x4d: {  	_ =	shalt  }
0x4e: {  	_ =	shalt  }
0x4f: {  	_ =	shalt  }
0x50: {  	_ =	shalt  }
0x51: {  	_ =	shalt  }
0x52: {  	_ =	shalt  }
0x53: {  	_ =	shalt  }
0x54: {  	_ =	shalt  }
0x55: {  	_ =	shalt  }
0x56: {  	_ =	shalt  }
0x57: {  	_ =	shalt  }
0x58: {  	_ =	shalt  }
0x59: {  	_ =	shalt  }
0x5a: {  	_ =	shalt  }
0x5b: {  	_ =	shalt  }
0x5c: {  	_ =	shalt  }
0x5d: {  	_ =	shalt  }
0x5e: {  	_ =	shalt  }
0x5f: {  	_ =	shalt  }
0x60: {  	_ =	shalt  }
0x61: {  	_ =	shalt  }
0x62: {  	_ =	shalt  }
0x63: {  	_ =	shalt  }
0x64: {  	_ =	shalt  }
0x65: {  	_ =	shalt  }
0x66: {  	_ =	shalt  }
0x67: {  	_ =	shalt  }
0x68: {  	_ =	shalt  }
0x69: {  	_ =	shalt  }
0x6a: {  	_ =	shalt  }
0x6b: {  	_ =	shalt  }
0x6c: {  	_ =	shalt  }
0x6d: {  	_ =	shalt  }
0x6e: {  	_ =	shalt  }
0x6f: {  	_ =	shalt  }
0x70: {  	_ =	shalt  }
0x71: {  	_ =	shalt  }
0x72: {  	_ =	shalt  }
0x73: {  	_ =	shalt  }
0x74: {  	_ =	shalt  }
0x75: {  	_ =	shalt  }
0x76: {  	_ =	shalt  }
0x77: {  	_ =	shalt  }
0x78: {  	_ =	shalt  }
0x79: {  	_ =	shalt  }
0x7a: {  	_ =	shalt  }
0x7b: {  	_ =	shalt  }
0x7c: {  	_ =	shalt  }
0x7d: {  	_ =	shalt  }
0x7e: {  	_ =	shalt  }
0x7f: {  	_ =	shalt  }
0x80: {  	_ =	shalt  }
0x81: {  	_ =	shalt  }
0x82: {  	_ =	shalt  }
0x83: {  	_ =	shalt  }
0x84: {  	_ =	shalt  }
0x85: {  	_ =	shalt  }
0x86: {  	_ =	shalt  }
0x87: {  	_ =	shalt  }
.Lfunc_end0:
.L_simem_size_0:
called_computation_lowered:
.L_overlay_start_0:
0x88: {  	s2 =	sld [smem:$0x3FD9]  }
0x89: {  	s3 =	sld [smem:$0x3FFE];
	_ =	sdelay $0x1  }
0x8a: {  	s1 =	srdreg.scid  }
0x8b: {  	s0 =	sand.u32 $0x1, s1  }
0x8c: {  	s29 =	sshll.u32 s0, $0xA;
	s2 =	sadd.s32 s3, s2  }
0x8d: {  	s2 =	sadd.s32 s2, s29  }
0x8e: {  	[smem:$0x3FC7] =	sst s2  }
0x8f: {  	_ = 	snop  }
0x90: {  	s3 =	sld [smem:$0x3FC9]  }
0x91: {  	s2 =	sld [smem:$0x3FD0];
	(tm) =	ssettm $0x1  }
0x92: {  	s4 =	sld [smem:$0x3FFB];
	_ =	sdelay $0x3  }
0x93: {  	_ =	strace s4  }
0x94: {  	s4 =	sld [smem:$0x3FFC];
	_ =	sdelay $0x3  }
0x95: {  	_ =	strace s4  }
0x96: {  	s4 =	sld [smem:$0x3FFD];
	_ =	sdelay $0x3  }
0x97: {  	_ =	strace s4  }
0x98: {  	s30 =	simm.s32 $0x1B8B;
	_ =	strace $0x8FFFFFFF  }
0x99: {  	p0 =	seq.s32 s0, $0x1;
	_ =	swait.ge [sflag:s30], $0x1  }
.Ltmp0:
0x9a: {  	[sflag:s30] =	ssyncset.done $0x0;
	(pc) =	sbr.rel @p0 .LBB1_2-.Ltmp0, $3  }
0x9b: {  	s31 =	simm.s32 $0x1B8E;
	[sflag:s30] =	ssyncadd.s32 $0xFFFFFFFF  }
0x9c: {  	[smem:$0x3FD2] =	sst s31  }
0x9d: {  	_ =	strace $0x80000046  }
0x9e: {  	s4 =	simm.s32 $0xA;
	s5 =	simm.s32 $0x10  }
0x9f: {  	[smem:s5], [sflag:s4] =	dma.local [hbm:s3], $0x10  }
0xa0: {  	_ =	swait.ge [sflag:s4], $0x10  }
0xa1: {  	[sflag:s4] =	ssyncset.done $0x0  }
0xa2: {  	[sflag:s4] =	ssyncadd.s32 $0xFFFFFFF0  }
0xa3: {  	s29 =	sld [smem:$0x10];
	_ =	sdelay $0x3  }
0xa4: {  	p0 =	sgt.f32 s29, $0.0e+00;
	_ =	sdelay $0x1  }
0xa5: {  	s3 =	simm.s32 $0x1;
	p0 =	por !p0, !p0  }
0xa6: {  	s3 =	simm.s32 @!p0 $0x0  }
0xa7: {  	[smem:$0x90] =	sst s3  }
0xa8: {  	s3 =	sld [smem:$0x11];
	_ =	sdelay $0x3  }
0xa9: {  	p6 =	sgt.f32 s3, $0.0e+00;
	_ =	sdelay $0x1  }
0xaa: {  	s3 =	simm.s32 $0x1;
	p0 =	por !p6, !p6  }
0xab: {  	s3 =	simm.s32 @!p0 $0x0  }
0xac: {  	[smem:$0x91] =	sst s3  }
0xad: {  	s3 =	sld [smem:$0x12];
	_ =	sdelay $0x3  }
0xae: {  	p1 =	sgt.f32 s3, $0.0e+00;
	_ =	sdelay $0x1  }
0xaf: {  	s3 =	simm.s32 $0x1;
	p0 =	por !p1, !p1  }
0xb0: {  	s3 =	simm.s32 @!p0 $0x0  }
0xb1: {  	[smem:$0x92] =	sst s3  }
0xb2: {  	s3 =	sld [smem:$0x13];
	_ =	sdelay $0x3  }
0xb3: {  	p2 =	sgt.f32 s3, $0.0e+00;
	_ =	sdelay $0x1  }
0xb4: {  	s3 =	simm.s32 $0x1;
	p0 =	por !p2, !p2  }
0xb5: {  	s3 =	simm.s32 @!p0 $0x0  }
0xb6: {  	[smem:$0x93] =	sst s3  }
0xb7: {  	s3 =	sld [smem:$0x14];
	_ =	sdelay $0x3  }
0xb8: {  	p3 =	sgt.f32 s3, $0.0e+00;
	_ =	sdelay $0x1  }
0xb9: {  	s3 =	simm.s32 $0x1;
	p0 =	por !p3, !p3  }
0xba: {  	s3 =	simm.s32 @!p0 $0x0  }
0xbb: {  	[smem:$0x94] =	sst s3  }
0xbc: {  	s3 =	sld [smem:$0x15];
	_ =	sdelay $0x3  }
0xbd: {  	p4 =	sgt.f32 s3, $0.0e+00;
	_ =	sdelay $0x1  }
0xbe: {  	s3 =	simm.s32 $0x1;
	p0 =	por !p4, !p4  }
0xbf: {  	s3 =	simm.s32 @!p0 $0x0  }
0xc0: {  	[smem:$0x95] =	sst s3  }
0xc1: {  	s3 =	sld [smem:$0x16];
	_ =	sdelay $0x3  }
0xc2: {  	p5 =	sgt.f32 s3, $0.0e+00;
	_ =	sdelay $0x1  }
0xc3: {  	s3 =	simm.s32 $0x1;
	p0 =	por !p5, !p5  }
0xc4: {  	s3 =	simm.s32 @!p0 $0x0  }
0xc5: {  	[smem:$0x96] =	sst s3  }
0xc6: {  	s3 =	sld [smem:$0x17];
	_ =	sdelay $0x3  }
0xc7: {  	p6 =	sgt.f32 s3, $0.0e+00;
	_ =	sdelay $0x1  }
0xc8: {  	s3 =	simm.s32 $0x1;
	p0 =	por !p6, !p6  }
0xc9: {  	s3 =	simm.s32 @!p0 $0x0  }
0xca: {  	[smem:$0x97] =	sst s3  }
0xcb: {  	s3 =	sld [smem:$0x18];
	_ =	sdelay $0x3  }
0xcc: {  	p1 =	sgt.f32 s3, $0.0e+00;
	_ =	sdelay $0x1  }
0xcd: {  	s3 =	simm.s32 $0x1;
	p0 =	por !p1, !p1  }
0xce: {  	s3 =	simm.s32 @!p0 $0x0  }
0xcf: {  	[smem:$0x98] =	sst s3  }
0xd0: {  	s3 =	sld [smem:$0x19];
	_ =	sdelay $0x3  }
0xd1: {  	p2 =	sgt.f32 s3, $0.0e+00;
	_ =	sdelay $0x1  }
0xd2: {  	s3 =	simm.s32 $0x1;
	p0 =	por !p2, !p2  }
0xd3: {  	s3 =	simm.s32 @!p0 $0x0  }
0xd4: {  	[smem:$0x99] =	sst s3  }
0xd5: {  	s3 =	sld [smem:$0x1A];
	_ =	sdelay $0x3  }
0xd6: {  	p3 =	sgt.f32 s3, $0.0e+00;
	_ =	sdelay $0x1  }
0xd7: {  	s3 =	simm.s32 $0x1;
	p0 =	por !p3, !p3  }
0xd8: {  	s3 =	simm.s32 @!p0 $0x0  }
0xd9: {  	[smem:$0x9A] =	sst s3  }
0xda: {  	s3 =	sld [smem:$0x1B];
	_ =	sdelay $0x3  }
0xdb: {  	p4 =	sgt.f32 s3, $0.0e+00;
	_ =	sdelay $0x1  }
0xdc: {  	s3 =	simm.s32 $0x1;
	p0 =	por !p4, !p4  }
0xdd: {  	s3 =	simm.s32 @!p0 $0x0  }
0xde: {  	[smem:$0x9B] =	sst s3  }
0xdf: {  	s3 =	sld [smem:$0x1C];
	_ =	sdelay $0x3  }
0xe0: {  	p5 =	sgt.f32 s3, $0.0e+00;
	_ =	sdelay $0x1  }
0xe1: {  	s3 =	simm.s32 $0x1;
	p0 =	por !p5, !p5  }
0xe2: {  	s3 =	simm.s32 @!p0 $0x0  }
0xe3: {  	[smem:$0x9C] =	sst s3  }
0xe4: {  	s3 =	sld [smem:$0x1D];
	_ =	sdelay $0x3  }
0xe5: {  	p6 =	sgt.f32 s3, $0.0e+00;
	_ =	sdelay $0x1  }
0xe6: {  	s3 =	simm.s32 $0x1;
	p0 =	por !p6, !p6  }
0xe7: {  	s3 =	simm.s32 @!p0 $0x0  }
0xe8: {  	[smem:$0x9D] =	sst s3  }
0xe9: {  	s3 =	sld [smem:$0x1E];
	_ =	sdelay $0x3  }
0xea: {  	p1 =	sgt.f32 s3, $0.0e+00;
	_ =	sdelay $0x1  }
0xeb: {  	s3 =	simm.s32 $0x1;
	p0 =	por !p1, !p1  }
0xec: {  	s3 =	simm.s32 @!p0 $0x0  }
0xed: {  	[smem:$0x9E] =	sst s3  }
0xee: {  	s3 =	sld [smem:$0x1F];
	_ =	sdelay $0x3  }
0xef: {  	p2 =	sgt.f32 s3, $0.0e+00;
	_ =	sdelay $0x1  }
0xf0: {  	s3 =	simm.s32 $0x1;
	p0 =	por !p2, !p2  }
0xf1: {  	s3 =	simm.s32 @!p0 $0x0  }
0xf2: {  	[smem:$0x9F] =	sst s3  }
0xf3: {  	s3 =	sld [smem:$0x20];
	_ =	sdelay $0x3  }
0xf4: {  	p3 =	sgt.f32 s3, $0.0e+00;
	_ =	sdelay $0x1  }
0xf5: {  	s3 =	simm.s32 $0x1;
	p0 =	por !p3, !p3  }
0xf6: {  	s3 =	simm.s32 @!p0 $0x0  }
0xf7: {  	[smem:$0xA0] =	sst s3  }
0xf8: {  	s3 =	sld [smem:$0x21];
	_ =	sdelay $0x3  }
0xf9: {  	p4 =	sgt.f32 s3, $0.0e+00;
	_ =	sdelay $0x1  }
0xfa: {  	s3 =	simm.s32 $0x1;
	p0 =	por !p4, !p4  }
0xfb: {  	s3 =	simm.s32 @!p0 $0x0  }
0xfc: {  	[smem:$0xA1] =	sst s3  }
0xfd: {  	s3 =	sld [smem:$0x22];
	_ =	sdelay $0x3  }
0xfe: {  	p5 =	sgt.f32 s3, $0.0e+00;
	_ =	sdelay $0x1  }
0xff: {  	s3 =	simm.s32 $0x1;
	p0 =	por !p5, !p5  }
0x100: {  	s3 =	simm.s32 @!p0 $0x0  }
0x101: {  	[smem:$0xA2] =	sst s3  }
0x102: {  	s3 =	sld [smem:$0x23];
	_ =	sdelay $0x3  }
0x103: {  	p6 =	sgt.f32 s3, $0.0e+00;
	_ =	sdelay $0x1  }
0x104: {  	s3 =	simm.s32 $0x1;
	p0 =	por !p6, !p6  }
0x105: {  	s3 =	simm.s32 @!p0 $0x0  }
0x106: {  	[smem:$0xA3] =	sst s3  }
0x107: {  	s3 =	sld [smem:$0x24];
	_ =	sdelay $0x3  }
0x108: {  	p1 =	sgt.f32 s3, $0.0e+00;
	_ =	sdelay $0x1  }
0x109: {  	s3 =	simm.s32 $0x1;
	p0 =	por !p1, !p1  }
0x10a: {  	s3 =	simm.s32 @!p0 $0x0  }
0x10b: {  	[smem:$0xA4] =	sst s3  }
0x10c: {  	s3 =	sld [smem:$0x25];
	_ =	sdelay $0x3  }
0x10d: {  	p2 =	sgt.f32 s3, $0.0e+00;
	_ =	sdelay $0x1  }
0x10e: {  	s3 =	simm.s32 $0x1;
	p0 =	por !p2, !p2  }
0x10f: {  	s3 =	simm.s32 @!p0 $0x0  }
0x110: {  	[smem:$0xA5] =	sst s3  }
0x111: {  	s3 =	sld [smem:$0x26];
	_ =	sdelay $0x3  }
0x112: {  	p3 =	sgt.f32 s3, $0.0e+00;
	_ =	sdelay $0x1  }
0x113: {  	s3 =	simm.s32 $0x1;
	p0 =	por !p3, !p3  }
0x114: {  	s3 =	simm.s32 @!p0 $0x0  }
0x115: {  	[smem:$0xA6] =	sst s3  }
0x116: {  	s3 =	sld [smem:$0x27];
	_ =	sdelay $0x3  }
0x117: {  	p4 =	sgt.f32 s3, $0.0e+00;
	_ =	sdelay $0x1  }
0x118: {  	s3 =	simm.s32 $0x1;
	p0 =	por !p4, !p4  }
0x119: {  	s3 =	simm.s32 @!p0 $0x0  }
0x11a: {  	[smem:$0xA7] =	sst s3  }
0x11b: {  	s3 =	sld [smem:$0x28];
	_ =	sdelay $0x3  }
0x11c: {  	p5 =	sgt.f32 s3, $0.0e+00;
	_ =	sdelay $0x1  }
0x11d: {  	s3 =	simm.s32 $0x1;
	p0 =	por !p5, !p5  }
0x11e: {  	s3 =	simm.s32 @!p0 $0x0  }
0x11f: {  	[smem:$0xA8] =	sst s3  }
0x120: {  	s3 =	sld [smem:$0x29];
	_ =	sdelay $0x3  }
0x121: {  	p6 =	sgt.f32 s3, $0.0e+00;
	_ =	sdelay $0x1  }
0x122: {  	s3 =	simm.s32 $0x1;
	p0 =	por !p6, !p6  }
0x123: {  	s3 =	simm.s32 @!p0 $0x0  }
0x124: {  	[smem:$0xA9] =	sst s3  }
0x125: {  	s3 =	sld [smem:$0x2A];
	_ =	sdelay $0x3  }
0x126: {  	p1 =	sgt.f32 s3, $0.0e+00;
	_ =	sdelay $0x1  }
0x127: {  	s3 =	simm.s32 $0x1;
	p0 =	por !p1, !p1  }
0x128: {  	s3 =	simm.s32 @!p0 $0x0  }
0x129: {  	[smem:$0xAA] =	sst s3  }
0x12a: {  	s3 =	sld [smem:$0x2B];
	_ =	sdelay $0x3  }
0x12b: {  	p2 =	sgt.f32 s3, $0.0e+00;
	_ =	sdelay $0x1  }
0x12c: {  	s3 =	simm.s32 $0x1;
	p0 =	por !p2, !p2  }
0x12d: {  	s3 =	simm.s32 @!p0 $0x0  }
0x12e: {  	[smem:$0xAB] =	sst s3  }
0x12f: {  	s3 =	sld [smem:$0x2C];
	_ =	sdelay $0x3  }
0x130: {  	p3 =	sgt.f32 s3, $0.0e+00;
	_ =	sdelay $0x1  }
0x131: {  	s3 =	simm.s32 $0x1;
	p0 =	por !p3, !p3  }
0x132: {  	s3 =	simm.s32 @!p0 $0x0  }
0x133: {  	[smem:$0xAC] =	sst s3  }
0x134: {  	s3 =	sld [smem:$0x2D];
	_ =	sdelay $0x3  }
0x135: {  	p4 =	sgt.f32 s3, $0.0e+00;
	_ =	sdelay $0x1  }
0x136: {  	s3 =	simm.s32 $0x1;
	p0 =	por !p4, !p4  }
0x137: {  	s3 =	simm.s32 @!p0 $0x0  }
0x138: {  	[smem:$0xAD] =	sst s3  }
0x139: {  	s3 =	sld [smem:$0x2E];
	_ =	sdelay $0x3  }
0x13a: {  	p5 =	sgt.f32 s3, $0.0e+00;
	_ =	sdelay $0x1  }
0x13b: {  	s3 =	simm.s32 $0x1;
	p0 =	por !p5, !p5  }
0x13c: {  	s3 =	simm.s32 @!p0 $0x0  }
0x13d: {  	[smem:$0xAE] =	sst s3  }
0x13e: {  	s3 =	sld [smem:$0x2F];
	_ =	sdelay $0x3  }
0x13f: {  	p6 =	sgt.f32 s3, $0.0e+00;
	_ =	sdelay $0x1  }
0x140: {  	s3 =	simm.s32 $0x1;
	p0 =	por !p6, !p6  }
0x141: {  	s3 =	simm.s32 @!p0 $0x0  }
0x142: {  	s30 =	simm.s32 $0x90;
	s31 =	simm.s32 $0x9;
	[smem:$0xAF] =	sst s3  }
0x143: {  	[hbm:s2], [sflag:s31] =	dma.local [smem:s30], $0x10  }
0x144: {  	_ =	swait.ge [sflag:s31], $0x10  }
0x145: {  	[sflag:s31] =	ssyncset.done $0x0  }
0x146: {  	[sflag:s31] =	ssyncadd.s32 $0xFFFFFFF0  }
.LBB1_2:
0x147: {  	_ =	strace $0x90000046  }
0x148: {  	_ =	sfence  }
0x149: {  	s2 =	sld [smem:$0x0];
	_ =	sdelay $0x2  }
0x14a: {  	s3 =	sshll.u32 s1, $0xD;
	s31 =	sshrl.u32 s1, $0x2  }
0x14b: {  	s3 =	sand.u32 $0x4000, s3;
	s1 =	sadd.s32 s31, s2  }
0x14c: {  	s0 =	sor.u32 s3, s0;
	s1 =	sshll.u32 s1, $0x11  }
0x14d: {  	s0 =	sor.u32 s1, s0  }
0x14e: {  	s0 =	sadd.s32 $0x8F2B, s0;
	(pc) =	sbr.abs _section_cstart, $3  }
0x14f: {  	[sflag:s0] =	ssyncadd.remote.s32 $0x1  }
0x150: {  	_ =	strace $0x9FFFFFFF  }
0x151: {  	(tm) =	ssettm $0x7FFFFFFF  }

</sc_bundles>
